<compile_context>
chip_gen: v7x
topology: tpu7x:2x2x1
jax: 0.10.2.dev20260603
libtpu: 0.0.44.dev20260713+nightly
codegen_flags: <defaults>
</compile_context>

<pallas_src>
import functools
import math

import jax
import jax.numpy as jnp
import numpy as np
from jax import lax
from jax.experimental import pallas as pl
from jax.experimental.pallas import tpu as pltpu
from jax.experimental.pallas import tpu_sc as plsc

NUM_T = 1000
_B, _H, _W = 4096, 64, 64
_TAB = 1024

_NC, _NS, _L = 2, 16, 16
_NW = _NC * _NS
_PER_W = _B // _NW

_BH = 1


@functools.lru_cache(maxsize=1)
def _schedule_tables():
    s = 0.008
    steps = NUM_T + 1
    x = jnp.linspace(0.0, float(NUM_T), steps)
    ac = jnp.cos((x / NUM_T + s) / (1 + s) * math.pi * 0.5) ** 2
    ac = ac / ac[0]
    betas = jnp.clip(1.0 - ac[1:] / ac[:-1], 0.0001, 0.9999)
    alphas_cumprod = jnp.cumprod(1.0 - betas)
    a = jnp.sqrt(alphas_cumprod)
    b = jnp.sqrt(1.0 - alphas_cumprod)
    pad = _TAB - NUM_T
    return jnp.pad(a, (0, pad)), jnp.pad(b, (0, pad))


def _sc_gather_body(t_hbm, ta_hbm, tb_hbm, a_hbm, b_hbm, t_v, ta_v, tb_v, a_v, b_v):
    wid = lax.axis_index("s") * _NC + lax.axis_index("c")
    base = wid * _PER_W
    pltpu.sync_copy(t_hbm.at[pl.ds(base, _PER_W)], t_v)
    pltpu.sync_copy(ta_hbm, ta_v)
    pltpu.sync_copy(tb_hbm, tb_v)
    for i in range(_PER_W // _L):
        tv = t_v[pl.ds(i * _L, _L)]
        a_v[pl.ds(i * _L, _L)] = plsc.load_gather(ta_v, [tv])
        b_v[pl.ds(i * _L, _L)] = plsc.load_gather(tb_v, [tv])
    pltpu.sync_copy(a_v, a_hbm.at[pl.ds(base, _PER_W)])
    pltpu.sync_copy(b_v, b_hbm.at[pl.ds(base, _PER_W)])


@functools.lru_cache(maxsize=1)
def _sc_gather():
    return pl.kernel(
        _sc_gather_body,
        mesh=plsc.VectorSubcoreMesh(core_axis_name="c", subcore_axis_name="s"),
        compiler_params=pltpu.CompilerParams(needs_layout_passes=False),
        out_type=[
            jax.ShapeDtypeStruct((_B,), jnp.float32),
            jax.ShapeDtypeStruct((_B,), jnp.float32),
        ],
        scratch_types=[
            pltpu.VMEM((_PER_W,), jnp.int32),
            pltpu.VMEM((_TAB,), jnp.float32),
            pltpu.VMEM((_TAB,), jnp.float32),
            pltpu.VMEM((_PER_W,), jnp.float32),
            pltpu.VMEM((_PER_W,), jnp.float32),
        ],
    )


def _threefry_bits(c):
    ks1 = jnp.uint32(1)
    ks2 = jnp.uint32(0x1BD11BDB)
    ks = (jnp.uint32(0), ks1, ks2)
    x0 = jnp.zeros_like(c)
    x1 = c + ks1
    rot_a = (13, 15, 26, 6)
    rot_b = (17, 29, 16, 24)
    for i in range(5):
        for r in rot_a if i % 2 == 0 else rot_b:
            x0 = x0 + x1
            x1 = (x1 << jnp.uint32(r)) | (x1 >> jnp.uint32(32 - r))
            x1 = x1 ^ x0
        x0 = x0 + ks[(i + 1) % 3]
        x1 = x1 + ks[(i + 2) % 3] + jnp.uint32(i + 1)
    return x0 ^ x1


_LO = np.nextafter(np.float32(-1.0), np.float32(0.0), dtype=np.float32)

_CA = (2.123319149017334, 0.34891337156295776, -0.00585859315469861,
       -0.0018581264885142446, 0.00027451239293441176, 8.73077442520298e-06)
_CB = (4.0064473152160645, 1.4166642427444458, 0.012995517812669277,
       -0.011476638726890087, 0.009661519899964333, -0.004057176876813173)


def _sqrt2_erfinv(u):
    w = -lax.log1p(-u * u)
    lt = w < jnp.float32(5.0)
    tt = jnp.where(lt, w - jnp.float32(2.5), lax.sqrt(w) - jnp.float32(3.0))
    p = jnp.where(lt, jnp.float32(_CA[5]), jnp.float32(_CB[5]))
    for ca, cb in zip(_CA[4::-1], _CB[4::-1]):
        p = p * tt + jnp.where(lt, jnp.float32(ca), jnp.float32(cb))
    return u * p


def _block_noise(g):
    shp = (_BH, _W, _B)
    f = lax.broadcasted_iota(jnp.int32, shp, 2) * (_H * _W)
    f = f + (lax.broadcasted_iota(jnp.int32, shp, 0) + g * _BH) * _W
    f = f + lax.broadcasted_iota(jnp.int32, shp, 1)
    bits = _threefry_bits(f.astype(jnp.uint32))
    fb = (bits >> jnp.uint32(9)) | jnp.uint32(0x3F800000)
    fl = lax.bitcast_convert_type(fb, jnp.float32) - jnp.float32(1.0)
    lo = jnp.float32(_LO)
    u = lax.max(lo, fl * (jnp.float32(1.0) - lo) + lo)
    return _sqrt2_erfinv(u)


def _combine_body(a_ref, b_ref, x_ref, xt_ref, no_ref):
    n = _block_noise(pl.program_id(0))
    a = a_ref[...].reshape(1, 1, _B)
    b = b_ref[...].reshape(1, 1, _B)
    xt_ref[...] = a * x_ref[...] + b * n
    no_ref[...] = n


def _combine(a, b, x_t_view):
    bs3 = pl.BlockSpec((_BH, _W, _B), lambda i: (i, 0, 0))
    bs1 = pl.BlockSpec((_B,), lambda i: (0,))
    return pl.pallas_call(
        _combine_body,
        grid=(_H // _BH,),
        in_specs=[bs1, bs1, bs3],
        out_specs=[bs3, bs3],
        out_shape=[jax.ShapeDtypeStruct((_H, _W, _B), jnp.float32)] * 2,
    )(a, b, x_t_view)


def kernel(x_0, t):
    ta, tb = _schedule_tables()
    a, b = _sc_gather()(t, ta, tb)
    xt_t, no_t = _combine(a, b, x_0.transpose(1, 2, 0))
    return (xt_t.transpose(2, 0, 1), no_t.transpose(2, 0, 1))

# --- scband reference (transcript-rebuilt; emitter-appended) ---
"""Pipeline reference for scband-geometry-diffusion-48009144434783 (READ-ONLY COPY).

The authoritative reference and input builder live on the scoring server;
editing this copy changes nothing except your own understanding.
"""

import jax, jax.numpy as jnp
import numpy as np
import math

NUM_TIMESTEPS = 1000

def cosine_beta_schedule(timesteps, s=0.008):
    steps = timesteps + 1
    x = jnp.linspace(0.0, float(timesteps), steps)
    alphas_cumprod = jnp.cos((x / timesteps + s) / (1 + s) * math.pi * 0.5) ** 2
    alphas_cumprod = alphas_cumprod / alphas_cumprod[0]
    betas = 1.0 - alphas_cumprod[1:] / alphas_cumprod[:-1]
    return jnp.clip(betas, 0.0001, 0.9999)

def setup_inputs(seed: int = 0) -> dict:
    key = jax.random.key(seed)
    k1, k2 = jax.random.split(key)
    x_0 = jax.random.normal(k1, (4096, 64, 64), dtype=jnp.float32)
    t = jax.random.randint(k2, (4096,), 0, NUM_TIMESTEPS, dtype=jnp.int32)
    return {"x_0": x_0, "t": t}

def reference(x_0, t):
    # Rebuild the registered buffers exactly as in __init__ (schedule='cosine')
    betas = cosine_beta_schedule(NUM_TIMESTEPS)
    alphas = 1.0 - betas
    alphas_cumprod = jnp.cumprod(alphas)
    sqrt_alphas_cumprod = jnp.sqrt(alphas_cumprod)
    sqrt_one_minus_alphas_cumprod = jnp.sqrt(1.0 - alphas_cumprod)
    # forward_diffusion: q(x_t | x_0)
    noise = jax.random.normal(jax.random.key(1), x_0.shape, dtype=x_0.dtype)
    bshape = (t.shape[0],) + (1,) * (x_0.ndim - 1)
    a = jnp.take(sqrt_alphas_cumprod, t).reshape(bshape)          # _extract / gather
    b = jnp.take(sqrt_one_minus_alphas_cumprod, t).reshape(bshape)
    x_t = a * x_0 + b * noise
    return (x_t, noise)

if __name__ == "__main__":
    import jax
    _d = setup_inputs()
    print(jax.jit(kernel)(*tuple(_d.values())))

</pallas_src>

<mosaic_0001>
#map = affine_map<(d0, d1) -> (0)>
module attributes {stable_mosaic.version = 14 : i64} {
  func.func @_sc_gather_body(%arg0: i32, %arg1: i32, %arg2: memref<4096xi32, #tpu.memory_space<hbm>>, %arg3: memref<1024xf32, #tpu.memory_space<hbm>>, %arg4: memref<1024xf32, #tpu.memory_space<hbm>>, %arg5: memref<4096xf32, #tpu.memory_space<hbm>>, %arg6: memref<4096xf32, #tpu.memory_space<hbm>>, %arg7: memref<128xi32, #tpu.memory_space<vmem>>, %arg8: memref<1024xf32, #tpu.memory_space<vmem>>, %arg9: memref<1024xf32, #tpu.memory_space<vmem>>, %arg10: memref<128xf32, #tpu.memory_space<vmem>>, %arg11: memref<128xf32, #tpu.memory_space<vmem>>) attributes {dimension_semantics = [#tpu.dimension_semantics<core_parallel>, #tpu.dimension_semantics<subcore_parallel>], iteration_bounds = array<i64: 2, 16>, scalar_prefetch = 0 : i64, scratch_operands = 5 : i64, tpu.core_type = #tpu.core_type<sc_vector_subcore>, window_params = [{transform_indices = #map}, {transform_indices = #map}, {transform_indices = #map}, {transform_indices = #map}, {transform_indices = #map}]} {
    %mul3A = arith.constant 2 : i32
    %mul3A_0 = arith.muli %arg1, %mul3A : i32
    %add3A = arith.addi %mul3A_0, %arg0 : i32
    %mul3A_1 = arith.constant 128 : i32
    %mul3A_2 = arith.muli %add3A, %mul3A_1 : i32
    "tpu.region"() ({
      %run_scoped3A = tpu.sem_alloc : memref<!tpu.dma_semaphore, #tpu.memory_space<semaphore_mem>>
      %dma_start3A = tpu.memref_slice %arg2[%mul3A_2] : memref<4096xi32, #tpu.memory_space<hbm>> -> memref<128xi32, #tpu.memory_space<hbm>>
      %dma_start3A_64 = tpu.memref_slice %arg2[%mul3A_2] : memref<4096xi32, #tpu.memory_space<hbm>> -> memref<128xi32, #tpu.memory_space<hbm>>
      tpu.enqueue_dma source(%dma_start3A_64 : memref<128xi32, #tpu.memory_space<hbm>>) target(%arg7 : memref<128xi32, #tpu.memory_space<vmem>>) target_semaphore(%run_scoped3A : memref<!tpu.dma_semaphore, #tpu.memory_space<semaphore_mem>>)
      %dma_wait3A = tpu.memref_slice %arg2[%mul3A_2] : memref<4096xi32, #tpu.memory_space<hbm>> -> memref<128xi32, #tpu.memory_space<hbm>>
      %dma_wait3A_65 = tpu.memref_slice %arg2[%mul3A_2] : memref<4096xi32, #tpu.memory_space<hbm>> -> memref<128xi32, #tpu.memory_space<hbm>>
      tpu.wait_dma2 semaphore(%run_scoped3A : memref<!tpu.dma_semaphore, #tpu.memory_space<semaphore_mem>>) src(%dma_wait3A_65 : memref<128xi32, #tpu.memory_space<hbm>>) dst(%arg7 : memref<128xi32, #tpu.memory_space<vmem>>)
      tpu.yield
    }) : () -> ()
    "tpu.region"() ({
      %run_scoped3A = tpu.sem_alloc : memref<!tpu.dma_semaphore, #tpu.memory_space<semaphore_mem>>
      tpu.enqueue_dma source(%arg3 : memref<1024xf32, #tpu.memory_space<hbm>>) target(%arg8 : memref<1024xf32, #tpu.memory_space<vmem>>) target_semaphore(%run_scoped3A : memref<!tpu.dma_semaphore, #tpu.memory_space<semaphore_mem>>)
      tpu.wait_dma2 semaphore(%run_scoped3A : memref<!tpu.dma_semaphore, #tpu.memory_space<semaphore_mem>>) src(%arg3 : memref<1024xf32, #tpu.memory_space<hbm>>) dst(%arg8 : memref<1024xf32, #tpu.memory_space<vmem>>)
      tpu.yield
    }) : () -> ()
    "tpu.region"() ({
      %run_scoped3A = tpu.sem_alloc : memref<!tpu.dma_semaphore, #tpu.memory_space<semaphore_mem>>
      tpu.enqueue_dma source(%arg4 : memref<1024xf32, #tpu.memory_space<hbm>>) target(%arg9 : memref<1024xf32, #tpu.memory_space<vmem>>) target_semaphore(%run_scoped3A : memref<!tpu.dma_semaphore, #tpu.memory_space<semaphore_mem>>)
      tpu.wait_dma2 semaphore(%run_scoped3A : memref<!tpu.dma_semaphore, #tpu.memory_space<semaphore_mem>>) src(%arg4 : memref<1024xf32, #tpu.memory_space<hbm>>) dst(%arg9 : memref<1024xf32, #tpu.memory_space<vmem>>)
      tpu.yield
    }) : () -> ()
    %get3A = arith.constant 0 : index
    %get3A_3 = tpu.vector_load %arg7[%get3A] {strides = array<i32>} : memref<128xi32, #tpu.memory_space<vmem>>, vector<16xi32>,
    %gather3A = tpu.vector_load_idx %arg8[%get3A_3] : memref<1024xf32, #tpu.memory_space<vmem>>[vector<16xi32>], vector<16xf32>,
    %swap3A = arith.constant 0 : index
    %swap3A_4 = tpu.vector_load %arg10[%swap3A] {strides = array<i32>} : memref<128xf32, #tpu.memory_space<vmem>>, vector<16xf32>,
    tpu.vector_store %arg10[%swap3A], %gather3A {strides = array<i32>} : memref<128xf32, #tpu.memory_space<vmem>>, vector<16xf32>,
    %gather3A_5 = tpu.vector_load_idx %arg9[%get3A_3] : memref<1024xf32, #tpu.memory_space<vmem>>[vector<16xi32>], vector<16xf32>,
    %swap3A_6 = arith.constant 0 : index
    %swap3A_7 = tpu.vector_load %arg11[%swap3A_6] {strides = array<i32>} : memref<128xf32, #tpu.memory_space<vmem>>, vector<16xf32>,
    tpu.vector_store %arg11[%swap3A_6], %gather3A_5 {strides = array<i32>} : memref<128xf32, #tpu.memory_space<vmem>>, vector<16xf32>,
    %get3A_8 = arith.constant 16 : index
    %get3A_9 = tpu.vector_load %arg7[%get3A_8] {strides = array<i32>} : memref<128xi32, #tpu.memory_space<vmem>>, vector<16xi32>,
    %gather3A_10 = tpu.vector_load_idx %arg8[%get3A_9] : memref<1024xf32, #tpu.memory_space<vmem>>[vector<16xi32>], vector<16xf32>,
    %swap3A_11 = arith.constant 16 : index
    %swap3A_12 = tpu.vector_load %arg10[%swap3A_11] {strides = array<i32>} : memref<128xf32, #tpu.memory_space<vmem>>, vector<16xf32>,
    tpu.vector_store %arg10[%swap3A_11], %gather3A_10 {strides = array<i32>} : memref<128xf32, #tpu.memory_space<vmem>>, vector<16xf32>,
    %gather3A_13 = tpu.vector_load_idx %arg9[%get3A_9] : memref<1024xf32, #tpu.memory_space<vmem>>[vector<16xi32>], vector<16xf32>,
    %swap3A_14 = arith.constant 16 : index
    %swap3A_15 = tpu.vector_load %arg11[%swap3A_14] {strides = array<i32>} : memref<128xf32, #tpu.memory_space<vmem>>, vector<16xf32>,
    tpu.vector_store %arg11[%swap3A_14], %gather3A_13 {strides = array<i32>} : memref<128xf32, #tpu.memory_space<vmem>>, vector<16xf32>,
    %get3A_16 = arith.constant 32 : index
    %get3A_17 = tpu.vector_load %arg7[%get3A_16] {strides = array<i32>} : memref<128xi32, #tpu.memory_space<vmem>>, vector<16xi32>,
    %gather3A_18 = tpu.vector_load_idx %arg8[%get3A_17] : memref<1024xf32, #tpu.memory_space<vmem>>[vector<16xi32>], vector<16xf32>,
    %swap3A_19 = arith.constant 32 : index
    %swap3A_20 = tpu.vector_load %arg10[%swap3A_19] {strides = array<i32>} : memref<128xf32, #tpu.memory_space<vmem>>, vector<16xf32>,
    tpu.vector_store %arg10[%swap3A_19], %gather3A_18 {strides = array<i32>} : memref<128xf32, #tpu.memory_space<vmem>>, vector<16xf32>,
    %gather3A_21 = tpu.vector_load_idx %arg9[%get3A_17] : memref<1024xf32, #tpu.memory_space<vmem>>[vector<16xi32>], vector<16xf32>,
    %swap3A_22 = arith.constant 32 : index
    %swap3A_23 = tpu.vector_load %arg11[%swap3A_22] {strides = array<i32>} : memref<128xf32, #tpu.memory_space<vmem>>, vector<16xf32>,
    tpu.vector_store %arg11[%swap3A_22], %gather3A_21 {strides = array<i32>} : memref<128xf32, #tpu.memory_space<vmem>>, vector<16xf32>,
    %get3A_24 = arith.constant 48 : index
    %get3A_25 = tpu.vector_load %arg7[%get3A_24] {strides = array<i32>} : memref<128xi32, #tpu.memory_space<vmem>>, vector<16xi32>,
    %gather3A_26 = tpu.vector_load_idx %arg8[%get3A_25] : memref<1024xf32, #tpu.memory_space<vmem>>[vector<16xi32>], vector<16xf32>,
    %swap3A_27 = arith.constant 48 : index
    %swap3A_28 = tpu.vector_load %arg10[%swap3A_27] {strides = array<i32>} : memref<128xf32, #tpu.memory_space<vmem>>, vector<16xf32>,
    tpu.vector_store %arg10[%swap3A_27], %gather3A_26 {strides = array<i32>} : memref<128xf32, #tpu.memory_space<vmem>>, vector<16xf32>,
    %gather3A_29 = tpu.vector_load_idx %arg9[%get3A_25] : memref<1024xf32, #tpu.memory_space<vmem>>[vector<16xi32>], vector<16xf32>,
    %swap3A_30 = arith.constant 48 : index
    %swap3A_31 = tpu.vector_load %arg11[%swap3A_30] {strides = array<i32>} : memref<128xf32, #tpu.memory_space<vmem>>, vector<16xf32>,
    tpu.vector_store %arg11[%swap3A_30], %gather3A_29 {strides = array<i32>} : memref<128xf32, #tpu.memory_space<vmem>>, vector<16xf32>,
    %get3A_32 = arith.constant 64 : index
    %get3A_33 = tpu.vector_load %arg7[%get3A_32] {strides = array<i32>} : memref<128xi32, #tpu.memory_space<vmem>>, vector<16xi32>,
    %gather3A_34 = tpu.vector_load_idx %arg8[%get3A_33] : memref<1024xf32, #tpu.memory_space<vmem>>[vector<16xi32>], vector<16xf32>,
    %swap3A_35 = arith.constant 64 : index
    %swap3A_36 = tpu.vector_load %arg10[%swap3A_35] {strides = array<i32>} : memref<128xf32, #tpu.memory_space<vmem>>, vector<16xf32>,
    tpu.vector_store %arg10[%swap3A_35], %gather3A_34 {strides = array<i32>} : memref<128xf32, #tpu.memory_space<vmem>>, vector<16xf32>,
    %gather3A_37 = tpu.vector_load_idx %arg9[%get3A_33] : memref<1024xf32, #tpu.memory_space<vmem>>[vector<16xi32>], vector<16xf32>,
    %swap3A_38 = arith.constant 64 : index
    %swap3A_39 = tpu.vector_load %arg11[%swap3A_38] {strides = array<i32>} : memref<128xf32, #tpu.memory_space<vmem>>, vector<16xf32>,
    tpu.vector_store %arg11[%swap3A_38], %gather3A_37 {strides = array<i32>} : memref<128xf32, #tpu.memory_space<vmem>>, vector<16xf32>,
    %get3A_40 = arith.constant 80 : index
    %get3A_41 = tpu.vector_load %arg7[%get3A_40] {strides = array<i32>} : memref<128xi32, #tpu.memory_space<vmem>>, vector<16xi32>,
    %gather3A_42 = tpu.vector_load_idx %arg8[%get3A_41] : memref<1024xf32, #tpu.memory_space<vmem>>[vector<16xi32>], vector<16xf32>,
    %swap3A_43 = arith.constant 80 : index
    %swap3A_44 = tpu.vector_load %arg10[%swap3A_43] {strides = array<i32>} : memref<128xf32, #tpu.memory_space<vmem>>, vector<16xf32>,
    tpu.vector_store %arg10[%swap3A_43], %gather3A_42 {strides = array<i32>} : memref<128xf32, #tpu.memory_space<vmem>>, vector<16xf32>,
    %gather3A_45 = tpu.vector_load_idx %arg9[%get3A_41] : memref<1024xf32, #tpu.memory_space<vmem>>[vector<16xi32>], vector<16xf32>,
    %swap3A_46 = arith.constant 80 : index
    %swap3A_47 = tpu.vector_load %arg11[%swap3A_46] {strides = array<i32>} : memref<128xf32, #tpu.memory_space<vmem>>, vector<16xf32>,
    tpu.vector_store %arg11[%swap3A_46], %gather3A_45 {strides = array<i32>} : memref<128xf32, #tpu.memory_space<vmem>>, vector<16xf32>,
    %get3A_48 = arith.constant 96 : index
    %get3A_49 = tpu.vector_load %arg7[%get3A_48] {strides = array<i32>} : memref<128xi32, #tpu.memory_space<vmem>>, vector<16xi32>,
    %gather3A_50 = tpu.vector_load_idx %arg8[%get3A_49] : memref<1024xf32, #tpu.memory_space<vmem>>[vector<16xi32>], vector<16xf32>,
    %swap3A_51 = arith.constant 96 : index
    %swap3A_52 = tpu.vector_load %arg10[%swap3A_51] {strides = array<i32>} : memref<128xf32, #tpu.memory_space<vmem>>, vector<16xf32>,
    tpu.vector_store %arg10[%swap3A_51], %gather3A_50 {strides = array<i32>} : memref<128xf32, #tpu.memory_space<vmem>>, vector<16xf32>,
    %gather3A_53 = tpu.vector_load_idx %arg9[%get3A_49] : memref<1024xf32, #tpu.memory_space<vmem>>[vector<16xi32>], vector<16xf32>,
    %swap3A_54 = arith.constant 96 : index
    %swap3A_55 = tpu.vector_load %arg11[%swap3A_54] {strides = array<i32>} : memref<128xf32, #tpu.memory_space<vmem>>, vector<16xf32>,
    tpu.vector_store %arg11[%swap3A_54], %gather3A_53 {strides = array<i32>} : memref<128xf32, #tpu.memory_space<vmem>>, vector<16xf32>,
    %get3A_56 = arith.constant 112 : index
    %get3A_57 = tpu.vector_load %arg7[%get3A_56] {strides = array<i32>} : memref<128xi32, #tpu.memory_space<vmem>>, vector<16xi32>,
    %gather3A_58 = tpu.vector_load_idx %arg8[%get3A_57] : memref<1024xf32, #tpu.memory_space<vmem>>[vector<16xi32>], vector<16xf32>,
    %swap3A_59 = arith.constant 112 : index
    %swap3A_60 = tpu.vector_load %arg10[%swap3A_59] {strides = array<i32>} : memref<128xf32, #tpu.memory_space<vmem>>, vector<16xf32>,
    tpu.vector_store %arg10[%swap3A_59], %gather3A_58 {strides = array<i32>} : memref<128xf32, #tpu.memory_space<vmem>>, vector<16xf32>,
    %gather3A_61 = tpu.vector_load_idx %arg9[%get3A_57] : memref<1024xf32, #tpu.memory_space<vmem>>[vector<16xi32>], vector<16xf32>,
    %swap3A_62 = arith.constant 112 : index
    %swap3A_63 = tpu.vector_load %arg11[%swap3A_62] {strides = array<i32>} : memref<128xf32, #tpu.memory_space<vmem>>, vector<16xf32>,
    tpu.vector_store %arg11[%swap3A_62], %gather3A_61 {strides = array<i32>} : memref<128xf32, #tpu.memory_space<vmem>>, vector<16xf32>,
    "tpu.region"() ({
      %run_scoped3A = tpu.sem_alloc : memref<!tpu.dma_semaphore, #tpu.memory_space<semaphore_mem>>
      %dma_start3A = tpu.memref_slice %arg5[%mul3A_2] : memref<4096xf32, #tpu.memory_space<hbm>> -> memref<128xf32, #tpu.memory_space<hbm>>
      %dma_start3A_64 = tpu.memref_slice %arg5[%mul3A_2] : memref<4096xf32, #tpu.memory_space<hbm>> -> memref<128xf32, #tpu.memory_space<hbm>>
      tpu.enqueue_dma source(%arg10 : memref<128xf32, #tpu.memory_space<vmem>>) target(%dma_start3A_64 : memref<128xf32, #tpu.memory_space<hbm>>) target_semaphore(%run_scoped3A : memref<!tpu.dma_semaphore, #tpu.memory_space<semaphore_mem>>)
      %dma_wait3A = tpu.memref_slice %arg5[%mul3A_2] : memref<4096xf32, #tpu.memory_space<hbm>> -> memref<128xf32, #tpu.memory_space<hbm>>
      %dma_wait3A_65 = tpu.memref_slice %arg5[%mul3A_2] : memref<4096xf32, #tpu.memory_space<hbm>> -> memref<128xf32, #tpu.memory_space<hbm>>
      tpu.wait_dma2 semaphore(%run_scoped3A : memref<!tpu.dma_semaphore, #tpu.memory_space<semaphore_mem>>) src(%arg10 : memref<128xf32, #tpu.memory_space<vmem>>) dst(%dma_wait3A_65 : memref<128xf32, #tpu.memory_space<hbm>>)
      tpu.yield
    }) : () -> ()
    "tpu.region"() ({
      %run_scoped3A = tpu.sem_alloc : memref<!tpu.dma_semaphore, #tpu.memory_space<semaphore_mem>>
      %dma_start3A = tpu.memref_slice %arg6[%mul3A_2] : memref<4096xf32, #tpu.memory_space<hbm>> -> memref<128xf32, #tpu.memory_space<hbm>>
      %dma_start3A_64 = tpu.memref_slice %arg6[%mul3A_2] : memref<4096xf32, #tpu.memory_space<hbm>> -> memref<128xf32, #tpu.memory_space<hbm>>
      tpu.enqueue_dma source(%arg11 : memref<128xf32, #tpu.memory_space<vmem>>) target(%dma_start3A_64 : memref<128xf32, #tpu.memory_space<hbm>>) target_semaphore(%run_scoped3A : memref<!tpu.dma_semaphore, #tpu.memory_space<semaphore_mem>>)
      %dma_wait3A = tpu.memref_slice %arg6[%mul3A_2] : memref<4096xf32, #tpu.memory_space<hbm>> -> memref<128xf32, #tpu.memory_space<hbm>>
      %dma_wait3A_65 = tpu.memref_slice %arg6[%mul3A_2] : memref<4096xf32, #tpu.memory_space<hbm>> -> memref<128xf32, #tpu.memory_space<hbm>>
      tpu.wait_dma2 semaphore(%run_scoped3A : memref<!tpu.dma_semaphore, #tpu.memory_space<semaphore_mem>>) src(%arg11 : memref<128xf32, #tpu.memory_space<vmem>>) dst(%dma_wait3A_65 : memref<128xf32, #tpu.memory_space<hbm>>)
      tpu.yield
    }) : () -> ()
    return
  }
}

module attributes {stable_mosaic.version = 14 : i64} {
  func.func @_combine_body(%arg0: i32, %arg1: memref<4096xf32, #tpu.memory_space<vmem>>, %arg2: memref<4096xf32, #tpu.memory_space<vmem>>, %arg3: memref<1x64x4096xf32, #tpu.memory_space<vmem>>, %arg4: memref<1x64x4096xf32, #tpu.memory_space<vmem>>, %arg5: memref<1x64x4096xf32, #tpu.memory_space<vmem>>) attributes {dimension_semantics = [#tpu.dimension_semantics<arbitrary>], iteration_bounds = array<i64: 64>, scalar_prefetch = 0 : i64, scratch_operands = 0 : i64, tpu.core_type = #tpu.core_type<tc>, window_params = [{pipeline_mode = #tpu.pipeline_mode<synchronous>, transform_indices = @transform_0, window_bounds = array<i64: 4096>}, {pipeline_mode = #tpu.pipeline_mode<synchronous>, transform_indices = @transform_1, window_bounds = array<i64: 4096>}, {transform_indices = @transform_2, window_bounds = array<i64: 1, 64, 4096>}, {transform_indices = @transform_3, window_bounds = array<i64: 1, 64, 4096>}, {transform_indices = @transform_4, window_bounds = array<i64: 1, 64, 4096>}]} {
    %iota3A = tpu.iota {dimensions = array<i32: 2>} : vector<1x64x4096xi32>
    %mul3A = arith.constant 4096 : i32
    %mul3A_0 = vector.broadcast %mul3A : i32 to vector<1x64x4096xi32>
    %mul3A_1 = arith.muli %iota3A, %mul3A_0 : vector<1x64x4096xi32>
    %iota3A_2 = tpu.iota {dimensions = array<i32: 0>} : vector<1x64x4096xi32>
    %mul3A_3 = arith.constant 1 : i32
    %mul3A_4 = arith.muli %arg0, %mul3A_3 : i32
    %add3A = vector.broadcast %mul3A_4 : i32 to vector<1x64x4096xi32>
    %add3A_5 = arith.addi %iota3A_2, %add3A : vector<1x64x4096xi32>
    %mul3A_6 = arith.constant 64 : i32
    %mul3A_7 = vector.broadcast %mul3A_6 : i32 to vector<1x64x4096xi32>
    %mul3A_8 = arith.muli %add3A_5, %mul3A_7 : vector<1x64x4096xi32>
    %add3A_9 = arith.addi %mul3A_1, %mul3A_8 : vector<1x64x4096xi32>
    %iota3A_10 = tpu.iota {dimensions = array<i32: 1>} : vector<1x64x4096xi32>
    %add3A_11 = arith.addi %add3A_9, %iota3A_10 : vector<1x64x4096xi32>
    %broadcast_in_dim3A = arith.constant 0 : i32
    %broadcast_in_dim3A_12 = vector.broadcast %broadcast_in_dim3A : i32 to vector<1x64x4096xi32>
    %add3A_13 = arith.constant 1 : i32
    %add3A_14 = vector.broadcast %add3A_13 : i32 to vector<1x64x4096xi32>
    %add3A_15 = arith.addi %add3A_11, %add3A_14 : vector<1x64x4096xi32>
    %add3A_16 = arith.addi %broadcast_in_dim3A_12, %add3A_15 : vector<1x64x4096xi32>
    %shift_left3A = arith.constant 13 : i32
    %shift_left3A_17 = vector.broadcast %shift_left3A : i32 to vector<1x64x4096xi32>
    %shift_left3A_18 = arith.shli %add3A_15, %shift_left3A_17 : vector<1x64x4096xi32>
    %shift_right_logical3A = arith.constant 19 : i32
    %shift_right_logical3A_19 = vector.broadcast %shift_right_logical3A : i32 to vector<1x64x4096xi32>
    %shift_right_logical3A_20 = arith.shrui %add3A_15, %shift_right_logical3A_19 : vector<1x64x4096xi32>
    %or3A = arith.ori %shift_left3A_18, %shift_right_logical3A_20 : vector<1x64x4096xi32>
    %xor3A = arith.xori %or3A, %add3A_16 : vector<1x64x4096xi32>
    %add3A_21 = arith.addi %add3A_16, %xor3A : vector<1x64x4096xi32>
    %shift_left3A_22 = arith.constant 15 : i32
    %shift_left3A_23 = vector.broadcast %shift_left3A_22 : i32 to vector<1x64x4096xi32>
    %shift_left3A_24 = arith.shli %xor3A, %shift_left3A_23 : vector<1x64x4096xi32>
    %shift_right_logical3A_25 = arith.constant 17 : i32
    %shift_right_logical3A_26 = vector.broadcast %shift_right_logical3A_25 : i32 to vector<1x64x4096xi32>
    %shift_right_logical3A_27 = arith.shrui %xor3A, %shift_right_logical3A_26 : vector<1x64x4096xi32>
    %or3A_28 = arith.ori %shift_left3A_24, %shift_right_logical3A_27 : vector<1x64x4096xi32>
    %xor3A_29 = arith.xori %or3A_28, %add3A_21 : vector<1x64x4096xi32>
    %add3A_30 = arith.addi %add3A_21, %xor3A_29 : vector<1x64x4096xi32>
    %shift_left3A_31 = arith.constant 26 : i32
    %shift_left3A_32 = vector.broadcast %shift_left3A_31 : i32 to vector<1x64x4096xi32>
    %shift_left3A_33 = arith.shli %xor3A_29, %shift_left3A_32 : vector<1x64x4096xi32>
    %shift_right_logical3A_34 = arith.constant 6 : i32
    %shift_right_logical3A_35 = vector.broadcast %shift_right_logical3A_34 : i32 to vector<1x64x4096xi32>
    %shift_right_logical3A_36 = arith.shrui %xor3A_29, %shift_right_logical3A_35 : vector<1x64x4096xi32>
    %or3A_37 = arith.ori %shift_left3A_33, %shift_right_logical3A_36 : vector<1x64x4096xi32>
    %xor3A_38 = arith.xori %or3A_37, %add3A_30 : vector<1x64x4096xi32>
    %add3A_39 = arith.addi %add3A_30, %xor3A_38 : vector<1x64x4096xi32>
    %shift_left3A_40 = arith.constant 6 : i32
    %shift_left3A_41 = vector.broadcast %shift_left3A_40 : i32 to vector<1x64x4096xi32>
    %shift_left3A_42 = arith.shli %xor3A_38, %shift_left3A_41 : vector<1x64x4096xi32>
    %shift_right_logical3A_43 = arith.constant 26 : i32
    %shift_right_logical3A_44 = vector.broadcast %shift_right_logical3A_43 : i32 to vector<1x64x4096xi32>
    %shift_right_logical3A_45 = arith.shrui %xor3A_38, %shift_right_logical3A_44 : vector<1x64x4096xi32>
    %or3A_46 = arith.ori %shift_left3A_42, %shift_right_logical3A_45 : vector<1x64x4096xi32>
    %xor3A_47 = arith.xori %or3A_46, %add3A_39 : vector<1x64x4096xi32>
    %add3A_48 = arith.constant 1 : i32
    %add3A_49 = vector.broadcast %add3A_48 : i32 to vector<1x64x4096xi32>
    %add3A_50 = arith.addi %add3A_39, %add3A_49 : vector<1x64x4096xi32>
    %add3A_51 = arith.constant 466688987 : i32
    %add3A_52 = vector.broadcast %add3A_51 : i32 to vector<1x64x4096xi32>
    %add3A_53 = arith.addi %xor3A_47, %add3A_52 : vector<1x64x4096xi32>
    %add3A_54 = arith.constant 1 : i32
    %add3A_55 = vector.broadcast %add3A_54 : i32 to vector<1x64x4096xi32>
    %add3A_56 = arith.addi %add3A_53, %add3A_55 : vector<1x64x4096xi32>
    %add3A_57 = arith.addi %add3A_50, %add3A_56 : vector<1x64x4096xi32>
    %shift_left3A_58 = arith.constant 17 : i32
    %shift_left3A_59 = vector.broadcast %shift_left3A_58 : i32 to vector<1x64x4096xi32>
    %shift_left3A_60 = arith.shli %add3A_56, %shift_left3A_59 : vector<1x64x4096xi32>
    %shift_right_logical3A_61 = arith.constant 15 : i32
    %shift_right_logical3A_62 = vector.broadcast %shift_right_logical3A_61 : i32 to vector<1x64x4096xi32>
    %shift_right_logical3A_63 = arith.shrui %add3A_56, %shift_right_logical3A_62 : vector<1x64x4096xi32>
    %or3A_64 = arith.ori %shift_left3A_60, %shift_right_logical3A_63 : vector<1x64x4096xi32>
    %xor3A_65 = arith.xori %or3A_64, %add3A_57 : vector<1x64x4096xi32>
    %add3A_66 = arith.addi %add3A_57, %xor3A_65 : vector<1x64x4096xi32>
    %shift_left3A_67 = arith.constant 29 : i32
    %shift_left3A_68 = vector.broadcast %shift_left3A_67 : i32 to vector<1x64x4096xi32>
    %shift_left3A_69 = arith.shli %xor3A_65, %shift_left3A_68 : vector<1x64x4096xi32>
    %shift_right_logical3A_70 = arith.constant 3 : i32
    %shift_right_logical3A_71 = vector.broadcast %shift_right_logical3A_70 : i32 to vector<1x64x4096xi32>
    %shift_right_logical3A_72 = arith.shrui %xor3A_65, %shift_right_logical3A_71 : vector<1x64x4096xi32>
    %or3A_73 = arith.ori %shift_left3A_69, %shift_right_logical3A_72 : vector<1x64x4096xi32>
    %xor3A_74 = arith.xori %or3A_73, %add3A_66 : vector<1x64x4096xi32>
    %add3A_75 = arith.addi %add3A_66, %xor3A_74 : vector<1x64x4096xi32>
    %shift_left3A_76 = arith.constant 16 : i32
    %shift_left3A_77 = vector.broadcast %shift_left3A_76 : i32 to vector<1x64x4096xi32>
    %shift_left3A_78 = arith.shli %xor3A_74, %shift_left3A_77 : vector<1x64x4096xi32>
    %shift_right_logical3A_79 = arith.constant 16 : i32
    %shift_right_logical3A_80 = vector.broadcast %shift_right_logical3A_79 : i32 to vector<1x64x4096xi32>
    %shift_right_logical3A_81 = arith.shrui %xor3A_74, %shift_right_logical3A_80 : vector<1x64x4096xi32>
    %or3A_82 = arith.ori %shift_left3A_78, %shift_right_logical3A_81 : vector<1x64x4096xi32>
    %xor3A_83 = arith.xori %or3A_82, %add3A_75 : vector<1x64x4096xi32>
    %add3A_84 = arith.addi %add3A_75, %xor3A_83 : vector<1x64x4096xi32>
    %shift_left3A_85 = arith.constant 24 : i32
    %shift_left3A_86 = vector.broadcast %shift_left3A_85 : i32 to vector<1x64x4096xi32>
    %shift_left3A_87 = arith.shli %xor3A_83, %shift_left3A_86 : vector<1x64x4096xi32>
    %shift_right_logical3A_88 = arith.constant 8 : i32
    %shift_right_logical3A_89 = vector.broadcast %shift_right_logical3A_88 : i32 to vector<1x64x4096xi32>
    %shift_right_logical3A_90 = arith.shrui %xor3A_83, %shift_right_logical3A_89 : vector<1x64x4096xi32>
    %or3A_91 = arith.ori %shift_left3A_87, %shift_right_logical3A_90 : vector<1x64x4096xi32>
    %xor3A_92 = arith.xori %or3A_91, %add3A_84 : vector<1x64x4096xi32>
    %add3A_93 = arith.constant 466688987 : i32
    %add3A_94 = vector.broadcast %add3A_93 : i32 to vector<1x64x4096xi32>
    %add3A_95 = arith.addi %add3A_84, %add3A_94 : vector<1x64x4096xi32>
    %add3A_96 = arith.constant 0 : i32
    %add3A_97 = vector.broadcast %add3A_96 : i32 to vector<1x64x4096xi32>
    %add3A_98 = arith.addi %xor3A_92, %add3A_97 : vector<1x64x4096xi32>
    %add3A_99 = arith.constant 2 : i32
    %add3A_100 = vector.broadcast %add3A_99 : i32 to vector<1x64x4096xi32>
    %add3A_101 = arith.addi %add3A_98, %add3A_100 : vector<1x64x4096xi32>
    %add3A_102 = arith.addi %add3A_95, %add3A_101 : vector<1x64x4096xi32>
    %shift_left3A_103 = arith.constant 13 : i32
    %shift_left3A_104 = vector.broadcast %shift_left3A_103 : i32 to vector<1x64x4096xi32>
    %shift_left3A_105 = arith.shli %add3A_101, %shift_left3A_104 : vector<1x64x4096xi32>
    %shift_right_logical3A_106 = arith.constant 19 : i32
    %shift_right_logical3A_107 = vector.broadcast %shift_right_logical3A_106 : i32 to vector<1x64x4096xi32>
    %shift_right_logical3A_108 = arith.shrui %add3A_101, %shift_right_logical3A_107 : vector<1x64x4096xi32>
    %or3A_109 = arith.ori %shift_left3A_105, %shift_right_logical3A_108 : vector<1x64x4096xi32>
    %xor3A_110 = arith.xori %or3A_109, %add3A_102 : vector<1x64x4096xi32>
    %add3A_111 = arith.addi %add3A_102, %xor3A_110 : vector<1x64x4096xi32>
    %shift_left3A_112 = arith.constant 15 : i32
    %shift_left3A_113 = vector.broadcast %shift_left3A_112 : i32 to vector<1x64x4096xi32>
    %shift_left3A_114 = arith.shli %xor3A_110, %shift_left3A_113 : vector<1x64x4096xi32>
    %shift_right_logical3A_115 = arith.constant 17 : i32
    %shift_right_logical3A_116 = vector.broadcast %shift_right_logical3A_115 : i32 to vector<1x64x4096xi32>
    %shift_right_logical3A_117 = arith.shrui %xor3A_110, %shift_right_logical3A_116 : vector<1x64x4096xi32>
    %or3A_118 = arith.ori %shift_left3A_114, %shift_right_logical3A_117 : vector<1x64x4096xi32>
    %xor3A_119 = arith.xori %or3A_118, %add3A_111 : vector<1x64x4096xi32>
    %add3A_120 = arith.addi %add3A_111, %xor3A_119 : vector<1x64x4096xi32>
    %shift_left3A_121 = arith.constant 26 : i32
    %shift_left3A_122 = vector.broadcast %shift_left3A_121 : i32 to vector<1x64x4096xi32>
    %shift_left3A_123 = arith.shli %xor3A_119, %shift_left3A_122 : vector<1x64x4096xi32>
    %shift_right_logical3A_124 = arith.constant 6 : i32
    %shift_right_logical3A_125 = vector.broadcast %shift_right_logical3A_124 : i32 to vector<1x64x4096xi32>
    %shift_right_logical3A_126 = arith.shrui %xor3A_119, %shift_right_logical3A_125 : vector<1x64x4096xi32>
    %or3A_127 = arith.ori %shift_left3A_123, %shift_right_logical3A_126 : vector<1x64x4096xi32>
    %xor3A_128 = arith.xori %or3A_127, %add3A_120 : vector<1x64x4096xi32>
    %add3A_129 = arith.addi %add3A_120, %xor3A_128 : vector<1x64x4096xi32>
    %shift_left3A_130 = arith.constant 6 : i32
    %shift_left3A_131 = vector.broadcast %shift_left3A_130 : i32 to vector<1x64x4096xi32>
    %shift_left3A_132 = arith.shli %xor3A_128, %shift_left3A_131 : vector<1x64x4096xi32>
    %shift_right_logical3A_133 = arith.constant 26 : i32
    %shift_right_logical3A_134 = vector.broadcast %shift_right_logical3A_133 : i32 to vector<1x64x4096xi32>
    %shift_right_logical3A_135 = arith.shrui %xor3A_128, %shift_right_logical3A_134 : vector<1x64x4096xi32>
    %or3A_136 = arith.ori %shift_left3A_132, %shift_right_logical3A_135 : vector<1x64x4096xi32>
    %xor3A_137 = arith.xori %or3A_136, %add3A_129 : vector<1x64x4096xi32>
    %add3A_138 = arith.constant 0 : i32
    %add3A_139 = vector.broadcast %add3A_138 : i32 to vector<1x64x4096xi32>
    %add3A_140 = arith.addi %add3A_129, %add3A_139 : vector<1x64x4096xi32>
    %add3A_141 = arith.constant 1 : i32
    %add3A_142 = vector.broadcast %add3A_141 : i32 to vector<1x64x4096xi32>
    %add3A_143 = arith.addi %xor3A_137, %add3A_142 : vector<1x64x4096xi32>
    %add3A_144 = arith.constant 3 : i32
    %add3A_145 = vector.broadcast %add3A_144 : i32 to vector<1x64x4096xi32>
    %add3A_146 = arith.addi %add3A_143, %add3A_145 : vector<1x64x4096xi32>
    %add3A_147 = arith.addi %add3A_140, %add3A_146 : vector<1x64x4096xi32>
    %shift_left3A_148 = arith.constant 17 : i32
    %shift_left3A_149 = vector.broadcast %shift_left3A_148 : i32 to vector<1x64x4096xi32>
    %shift_left3A_150 = arith.shli %add3A_146, %shift_left3A_149 : vector<1x64x4096xi32>
    %shift_right_logical3A_151 = arith.constant 15 : i32
    %shift_right_logical3A_152 = vector.broadcast %shift_right_logical3A_151 : i32 to vector<1x64x4096xi32>
    %shift_right_logical3A_153 = arith.shrui %add3A_146, %shift_right_logical3A_152 : vector<1x64x4096xi32>
    %or3A_154 = arith.ori %shift_left3A_150, %shift_right_logical3A_153 : vector<1x64x4096xi32>
    %xor3A_155 = arith.xori %or3A_154, %add3A_147 : vector<1x64x4096xi32>
    %add3A_156 = arith.addi %add3A_147, %xor3A_155 : vector<1x64x4096xi32>
    %shift_left3A_157 = arith.constant 29 : i32
    %shift_left3A_158 = vector.broadcast %shift_left3A_157 : i32 to vector<1x64x4096xi32>
    %shift_left3A_159 = arith.shli %xor3A_155, %shift_left3A_158 : vector<1x64x4096xi32>
    %shift_right_logical3A_160 = arith.constant 3 : i32
    %shift_right_logical3A_161 = vector.broadcast %shift_right_logical3A_160 : i32 to vector<1x64x4096xi32>
    %shift_right_logical3A_162 = arith.shrui %xor3A_155, %shift_right_logical3A_161 : vector<1x64x4096xi32>
    %or3A_163 = arith.ori %shift_left3A_159, %shift_right_logical3A_162 : vector<1x64x4096xi32>
    %xor3A_164 = arith.xori %or3A_163, %add3A_156 : vector<1x64x4096xi32>
    %add3A_165 = arith.addi %add3A_156, %xor3A_164 : vector<1x64x4096xi32>
    %shift_left3A_166 = arith.constant 16 : i32
    %shift_left3A_167 = vector.broadcast %shift_left3A_166 : i32 to vector<1x64x4096xi32>
    %shift_left3A_168 = arith.shli %xor3A_164, %shift_left3A_167 : vector<1x64x4096xi32>
    %shift_right_logical3A_169 = arith.constant 16 : i32
    %shift_right_logical3A_170 = vector.broadcast %shift_right_logical3A_169 : i32 to vector<1x64x4096xi32>
    %shift_right_logical3A_171 = arith.shrui %xor3A_164, %shift_right_logical3A_170 : vector<1x64x4096xi32>
    %or3A_172 = arith.ori %shift_left3A_168, %shift_right_logical3A_171 : vector<1x64x4096xi32>
    %xor3A_173 = arith.xori %or3A_172, %add3A_165 : vector<1x64x4096xi32>
    %add3A_174 = arith.addi %add3A_165, %xor3A_173 : vector<1x64x4096xi32>
    %shift_left3A_175 = arith.constant 24 : i32
    %shift_left3A_176 = vector.broadcast %shift_left3A_175 : i32 to vector<1x64x4096xi32>
    %shift_left3A_177 = arith.shli %xor3A_173, %shift_left3A_176 : vector<1x64x4096xi32>
    %shift_right_logical3A_178 = arith.constant 8 : i32
    %shift_right_logical3A_179 = vector.broadcast %shift_right_logical3A_178 : i32 to vector<1x64x4096xi32>
    %shift_right_logical3A_180 = arith.shrui %xor3A_173, %shift_right_logical3A_179 : vector<1x64x4096xi32>
    %or3A_181 = arith.ori %shift_left3A_177, %shift_right_logical3A_180 : vector<1x64x4096xi32>
    %xor3A_182 = arith.xori %or3A_181, %add3A_174 : vector<1x64x4096xi32>
    %add3A_183 = arith.constant 1 : i32
    %add3A_184 = vector.broadcast %add3A_183 : i32 to vector<1x64x4096xi32>
    %add3A_185 = arith.addi %add3A_174, %add3A_184 : vector<1x64x4096xi32>
    %add3A_186 = arith.constant 466688987 : i32
    %add3A_187 = vector.broadcast %add3A_186 : i32 to vector<1x64x4096xi32>
    %add3A_188 = arith.addi %xor3A_182, %add3A_187 : vector<1x64x4096xi32>
    %add3A_189 = arith.constant 4 : i32
    %add3A_190 = vector.broadcast %add3A_189 : i32 to vector<1x64x4096xi32>
    %add3A_191 = arith.addi %add3A_188, %add3A_190 : vector<1x64x4096xi32>
    %add3A_192 = arith.addi %add3A_185, %add3A_191 : vector<1x64x4096xi32>
    %shift_left3A_193 = arith.constant 13 : i32
    %shift_left3A_194 = vector.broadcast %shift_left3A_193 : i32 to vector<1x64x4096xi32>
    %shift_left3A_195 = arith.shli %add3A_191, %shift_left3A_194 : vector<1x64x4096xi32>
    %shift_right_logical3A_196 = arith.constant 19 : i32
    %shift_right_logical3A_197 = vector.broadcast %shift_right_logical3A_196 : i32 to vector<1x64x4096xi32>
    %shift_right_logical3A_198 = arith.shrui %add3A_191, %shift_right_logical3A_197 : vector<1x64x4096xi32>
    %or3A_199 = arith.ori %shift_left3A_195, %shift_right_logical3A_198 : vector<1x64x4096xi32>
    %xor3A_200 = arith.xori %or3A_199, %add3A_192 : vector<1x64x4096xi32>
    %add3A_201 = arith.addi %add3A_192, %xor3A_200 : vector<1x64x4096xi32>
    %shift_left3A_202 = arith.constant 15 : i32
    %shift_left3A_203 = vector.broadcast %shift_left3A_202 : i32 to vector<1x64x4096xi32>
    %shift_left3A_204 = arith.shli %xor3A_200, %shift_left3A_203 : vector<1x64x4096xi32>
    %shift_right_logical3A_205 = arith.constant 17 : i32
    %shift_right_logical3A_206 = vector.broadcast %shift_right_logical3A_205 : i32 to vector<1x64x4096xi32>
    %shift_right_logical3A_207 = arith.shrui %xor3A_200, %shift_right_logical3A_206 : vector<1x64x4096xi32>
    %or3A_208 = arith.ori %shift_left3A_204, %shift_right_logical3A_207 : vector<1x64x4096xi32>
    %xor3A_209 = arith.xori %or3A_208, %add3A_201 : vector<1x64x4096xi32>
    %add3A_210 = arith.addi %add3A_201, %xor3A_209 : vector<1x64x4096xi32>
    %shift_left3A_211 = arith.constant 26 : i32
    %shift_left3A_212 = vector.broadcast %shift_left3A_211 : i32 to vector<1x64x4096xi32>
    %shift_left3A_213 = arith.shli %xor3A_209, %shift_left3A_212 : vector<1x64x4096xi32>
    %shift_right_logical3A_214 = arith.constant 6 : i32
    %shift_right_logical3A_215 = vector.broadcast %shift_right_logical3A_214 : i32 to vector<1x64x4096xi32>
    %shift_right_logical3A_216 = arith.shrui %xor3A_209, %shift_right_logical3A_215 : vector<1x64x4096xi32>
    %or3A_217 = arith.ori %shift_left3A_213, %shift_right_logical3A_216 : vector<1x64x4096xi32>
    %xor3A_218 = arith.xori %or3A_217, %add3A_210 : vector<1x64x4096xi32>
    %add3A_219 = arith.addi %add3A_210, %xor3A_218 : vector<1x64x4096xi32>
    %shift_left3A_220 = arith.constant 6 : i32
    %shift_left3A_221 = vector.broadcast %shift_left3A_220 : i32 to vector<1x64x4096xi32>
    %shift_left3A_222 = arith.shli %xor3A_218, %shift_left3A_221 : vector<1x64x4096xi32>
    %shift_right_logical3A_223 = arith.constant 26 : i32
    %shift_right_logical3A_224 = vector.broadcast %shift_right_logical3A_223 : i32 to vector<1x64x4096xi32>
    %shift_right_logical3A_225 = arith.shrui %xor3A_218, %shift_right_logical3A_224 : vector<1x64x4096xi32>
    %or3A_226 = arith.ori %shift_left3A_222, %shift_right_logical3A_225 : vector<1x64x4096xi32>
    %xor3A_227 = arith.xori %or3A_226, %add3A_219 : vector<1x64x4096xi32>
    %add3A_228 = arith.constant 466688987 : i32
    %add3A_229 = vector.broadcast %add3A_228 : i32 to vector<1x64x4096xi32>
    %add3A_230 = arith.addi %add3A_219, %add3A_229 : vector<1x64x4096xi32>
    %add3A_231 = arith.constant 0 : i32
    %add3A_232 = vector.broadcast %add3A_231 : i32 to vector<1x64x4096xi32>
    %add3A_233 = arith.addi %xor3A_227, %add3A_232 : vector<1x64x4096xi32>
    %add3A_234 = arith.constant 5 : i32
    %add3A_235 = vector.broadcast %add3A_234 : i32 to vector<1x64x4096xi32>
    %add3A_236 = arith.addi %add3A_233, %add3A_235 : vector<1x64x4096xi32>
    %xor3A_237 = arith.xori %add3A_230, %add3A_236 : vector<1x64x4096xi32>
    %shift_right_logical3A_238 = arith.constant 9 : i32
    %shift_right_logical3A_239 = vector.broadcast %shift_right_logical3A_238 : i32 to vector<1x64x4096xi32>
    %shift_right_logical3A_240 = arith.shrui %xor3A_237, %shift_right_logical3A_239 : vector<1x64x4096xi32>
    %or3A_241 = arith.constant 1065353216 : i32
    %or3A_242 = vector.broadcast %or3A_241 : i32 to vector<1x64x4096xi32>
    %or3A_243 = arith.ori %shift_right_logical3A_240, %or3A_242 : vector<1x64x4096xi32>
    %bitcast_convert_type3A = tpu.bitcast %or3A_243 : vector<1x64x4096xi32> -> vector<1x64x4096xf32>
    %sub3A = arith.constant 1.000000e+00 : f32
    %sub3A_244 = vector.broadcast %sub3A : f32 to vector<1x64x4096xf32>
    %sub3A_245 = arith.subf %bitcast_convert_type3A, %sub3A_244 : vector<1x64x4096xf32>
    %sub3A_246 = arith.constant 1.000000e+00 : f32
    %sub3A_247 = arith.constant -0.99999994 : f32
    %sub3A_248 = arith.subf %sub3A_246, %sub3A_247 : f32
    %mul3A_249 = vector.broadcast %sub3A_248 : f32 to vector<1x64x4096xf32>
    %mul3A_250 = arith.mulf %sub3A_245, %mul3A_249 : vector<1x64x4096xf32>
    %add3A_251 = arith.constant -0.99999994 : f32
    %add3A_252 = vector.broadcast %add3A_251 : f32 to vector<1x64x4096xf32>
    %add3A_253 = arith.addf %mul3A_250, %add3A_252 : vector<1x64x4096xf32>
    %max3A = arith.constant -0.99999994 : f32
    %max3A_254 = vector.broadcast %max3A : f32 to vector<1x64x4096xf32>
    %max3A_255 = arith.maximumf %max3A_254, %add3A_253 : vector<1x64x4096xf32>
    %neg3A = arith.constant 0.000000e+00 : f32
    %neg3A_256 = vector.broadcast %neg3A : f32 to vector<1x64x4096xf32>
    %neg3A_257 = arith.subf %neg3A_256, %max3A_255 : vector<1x64x4096xf32>
    %mul3A_258 = arith.mulf %neg3A_257, %max3A_255 : vector<1x64x4096xf32>
    %log1p3A = math.log1p %mul3A_258 : vector<1x64x4096xf32>
    %neg3A_259 = arith.constant 0.000000e+00 : f32
    %neg3A_260 = vector.broadcast %neg3A_259 : f32 to vector<1x64x4096xf32>
    %neg3A_261 = arith.subf %neg3A_260, %log1p3A : vector<1x64x4096xf32>
    %lt3A = arith.constant 5.000000e+00 : f32
    %lt3A_262 = vector.broadcast %lt3A : f32 to vector<1x64x4096xf32>
    %lt3A_263 = arith.cmpf olt, %neg3A_261, %lt3A_262 : vector<1x64x4096xf32>
    %sub3A_264 = arith.constant 2.500000e+00 : f32
    %sub3A_265 = vector.broadcast %sub3A_264 : f32 to vector<1x64x4096xf32>
    %sub3A_266 = arith.subf %neg3A_261, %sub3A_265 : vector<1x64x4096xf32>
    %sqrt3A = math.sqrt %neg3A_261 : vector<1x64x4096xf32>
    %sub3A_267 = arith.constant 3.000000e+00 : f32
    %sub3A_268 = vector.broadcast %sub3A_267 : f32 to vector<1x64x4096xf32>
    %sub3A_269 = arith.subf %sqrt3A, %sub3A_268 : vector<1x64x4096xf32>
    %select_n3A = arith.select %lt3A_263, %sub3A_266, %sub3A_269 : vector<1x64x4096xi1>, vector<1x64x4096xf32>
    %jit3A = arith.constant 8.73077442E-6 : f32
    %jit3A_270 = arith.constant -0.00405717688 : f32
    %broadcast_in_dim3A_271 = vector.broadcast %jit3A : f32 to vector<1x64x4096xf32>
    %broadcast_in_dim3A_272 = vector.broadcast %jit3A_270 : f32 to vector<1x64x4096xf32>
    %select_n3A_273 = arith.select %lt3A_263, %broadcast_in_dim3A_271, %broadcast_in_dim3A_272 : vector<1x64x4096xi1>, vector<1x64x4096xf32>
    %mul3A_274 = arith.mulf %select_n3A_273, %select_n3A : vector<1x64x4096xf32>
    %jit3A_275 = arith.constant 2.74512393E-4 : f32
    %jit3A_276 = arith.constant 0.00966151989 : f32
    %broadcast_in_dim3A_277 = vector.broadcast %jit3A_275 : f32 to vector<1x64x4096xf32>
    %broadcast_in_dim3A_278 = vector.broadcast %jit3A_276 : f32 to vector<1x64x4096xf32>
    %select_n3A_279 = arith.select %lt3A_263, %broadcast_in_dim3A_277, %broadcast_in_dim3A_278 : vector<1x64x4096xi1>, vector<1x64x4096xf32>
    %add3A_280 = arith.addf %mul3A_274, %select_n3A_279 : vector<1x64x4096xf32>
    %mul3A_281 = arith.mulf %add3A_280, %select_n3A : vector<1x64x4096xf32>
    %jit3A_282 = arith.constant -0.00185812649 : f32
    %jit3A_283 = arith.constant -0.0114766387 : f32
    %broadcast_in_dim3A_284 = vector.broadcast %jit3A_282 : f32 to vector<1x64x4096xf32>
    %broadcast_in_dim3A_285 = vector.broadcast %jit3A_283 : f32 to vector<1x64x4096xf32>
    %select_n3A_286 = arith.select %lt3A_263, %broadcast_in_dim3A_284, %broadcast_in_dim3A_285 : vector<1x64x4096xi1>, vector<1x64x4096xf32>
    %add3A_287 = arith.addf %mul3A_281, %select_n3A_286 : vector<1x64x4096xf32>
    %mul3A_288 = arith.mulf %add3A_287, %select_n3A : vector<1x64x4096xf32>
    %jit3A_289 = arith.constant -0.00585859315 : f32
    %jit3A_290 = arith.constant 0.0129955178 : f32
    %broadcast_in_dim3A_291 = vector.broadcast %jit3A_289 : f32 to vector<1x64x4096xf32>
    %broadcast_in_dim3A_292 = vector.broadcast %jit3A_290 : f32 to vector<1x64x4096xf32>
    %select_n3A_293 = arith.select %lt3A_263, %broadcast_in_dim3A_291, %broadcast_in_dim3A_292 : vector<1x64x4096xi1>, vector<1x64x4096xf32>
    %add3A_294 = arith.addf %mul3A_288, %select_n3A_293 : vector<1x64x4096xf32>
    %mul3A_295 = arith.mulf %add3A_294, %select_n3A : vector<1x64x4096xf32>
    %jit3A_296 = arith.constant 0.348913372 : f32
    %jit3A_297 = arith.constant 1.41666424 : f32
    %broadcast_in_dim3A_298 = vector.broadcast %jit3A_296 : f32 to vector<1x64x4096xf32>
    %broadcast_in_dim3A_299 = vector.broadcast %jit3A_297 : f32 to vector<1x64x4096xf32>
    %select_n3A_300 = arith.select %lt3A_263, %broadcast_in_dim3A_298, %broadcast_in_dim3A_299 : vector<1x64x4096xi1>, vector<1x64x4096xf32>
    %add3A_301 = arith.addf %mul3A_295, %select_n3A_300 : vector<1x64x4096xf32>
    %mul3A_302 = arith.mulf %add3A_301, %select_n3A : vector<1x64x4096xf32>
    %jit3A_303 = arith.constant 2.12331915 : f32
    %jit3A_304 = arith.constant 4.00644732 : f32
    %broadcast_in_dim3A_305 = vector.broadcast %jit3A_303 : f32 to vector<1x64x4096xf32>
    %broadcast_in_dim3A_306 = vector.broadcast %jit3A_304 : f32 to vector<1x64x4096xf32>
    %select_n3A_307 = arith.select %lt3A_263, %broadcast_in_dim3A_305, %broadcast_in_dim3A_306 : vector<1x64x4096xi1>, vector<1x64x4096xf32>
    %add3A_308 = arith.addf %mul3A_302, %select_n3A_307 : vector<1x64x4096xf32>
    %mul3A_309 = arith.mulf %max3A_255, %add3A_308 : vector<1x64x4096xf32>
    %get3A = arith.constant 0 : index
    %get3A_310 = vector.load %arg1[%get3A] : memref<4096xf32, #tpu.memory_space<vmem>>, vector<4096xf32>
    %reshape3A = vector.shape_cast %get3A_310 : vector<4096xf32> to vector<1x1x4096xf32>
    %get3A_311 = arith.constant 0 : index
    %get3A_312 = vector.load %arg2[%get3A_311] : memref<4096xf32, #tpu.memory_space<vmem>>, vector<4096xf32>
    %reshape3A_313 = vector.shape_cast %get3A_312 : vector<4096xf32> to vector<1x1x4096xf32>
    %get3A_314 = arith.constant 0 : index
    %get3A_315 = arith.constant 0 : index
    %get3A_316 = arith.constant 0 : index
    %get3A_317 = vector.load %arg3[%get3A_314, %get3A_315, %get3A_316] : memref<1x64x4096xf32, #tpu.memory_space<vmem>>, vector<1x64x4096xf32>
    %mul3A_318 = vector.broadcast %reshape3A : vector<1x1x4096xf32> to vector<1x64x4096xf32>
    %mul3A_319 = arith.mulf %mul3A_318, %get3A_317 : vector<1x64x4096xf32>
    %mul3A_320 = vector.broadcast %reshape3A_313 : vector<1x1x4096xf32> to vector<1x64x4096xf32>
    %mul3A_321 = arith.mulf %mul3A_320, %mul3A_309 : vector<1x64x4096xf32>
    %add3A_322 = arith.addf %mul3A_319, %mul3A_321 : vector<1x64x4096xf32>
    %swap3A = arith.constant 0 : index
    %swap3A_323 = arith.constant 0 : index
    %swap3A_324 = arith.constant 0 : index
    %swap3A_325 = vector.load %arg4[%swap3A, %swap3A_323, %swap3A_324] : memref<1x64x4096xf32, #tpu.memory_space<vmem>>, vector<1x64x4096xf32>
    tpu.vector_store %arg4[%swap3A, %swap3A_323, %swap3A_324], %add3A_322 {strides = array<i32>} : memref<1x64x4096xf32, #tpu.memory_space<vmem>>, vector<1x64x4096xf32>,
    %swap3A_326 = arith.constant 0 : index
    %swap3A_327 = arith.constant 0 : index
    %swap3A_328 = arith.constant 0 : index
    %swap3A_329 = vector.load %arg5[%swap3A_326, %swap3A_327, %swap3A_328] : memref<1x64x4096xf32, #tpu.memory_space<vmem>>, vector<1x64x4096xf32>
    tpu.vector_store %arg5[%swap3A_326, %swap3A_327, %swap3A_328], %mul3A_309 {strides = array<i32>} : memref<1x64x4096xf32, #tpu.memory_space<vmem>>, vector<1x64x4096xf32>,
    return
  }
  func.func @transform_0(%arg0: i32) -> i32 {
    %c0_i32 = arith.constant 0 : i32
    %c0_i32_0 = arith.constant 0 : i32
    return %c0_i32 : i32
  }
  func.func @transform_1(%arg0: i32) -> i32 {
    %c0_i32 = arith.constant 0 : i32
    %c0_i32_0 = arith.constant 0 : i32
    return %c0_i32 : i32
  }
  func.func @transform_2(%arg0: i32) -> (i32, i32, i32) {
    %c0_i32 = arith.constant 0 : i32
    %c0_i32_0 = arith.constant 0 : i32
    %c0_i32_1 = arith.constant 0 : i32
    return %arg0, %c0_i32, %c0_i32_0 : i32, i32, i32
  }
  func.func @transform_3(%arg0: i32) -> (i32, i32, i32) {
    %c0_i32 = arith.constant 0 : i32
    %c0_i32_0 = arith.constant 0 : i32
    %c0_i32_1 = arith.constant 0 : i32
    return %arg0, %c0_i32, %c0_i32_0 : i32, i32, i32
  }
  func.func @transform_4(%arg0: i32) -> (i32, i32, i32) {
    %c0_i32 = arith.constant 0 : i32
    %c0_i32_0 = arith.constant 0 : i32
    %c0_i32_1 = arith.constant 0 : i32
    return %arg0, %c0_i32, %c0_i32_0 : i32, i32, i32
  }
}

</mosaic_0001>

<sc_bundles>
// kernel: kernel.4.cloned.1.call-start
scs
__scs_entry_jumppad:
0x0: {  	(pc) =	sbr.rel $0x88, $3  }
0x1: {  	(tag) =	ssettag $0x0;
	lr =	simm.s32 $0x1  }
0x2: {  	[smem:$0x3F9F] =	sst lr;
	_ =	strace $0xD0000000  }
0x3: {  	_ = 	snop  }
0x4: {  	_ = 	snop  }
0x5: {  	_ = 	snop  }
0x6: {  	_ = 	snop  }
0x7: {  	_ = 	snop  }
__scs_overlays_trampoline_lowered:
0x8: {  	[smem:$0x3FAE] =	sst s0  }
0x9: {  	[smem:$0x3FAF] =	sst s1  }
0xa: {  	[smem:$0x3FB0] =	sst s2  }
0xb: {  	[smem:$0x3FB1] =	sst s3  }
0xc: {  	[smem:$0x3FB2] =	sst s4  }
0xd: {  	[smem:$0x3FB3] =	sst s5  }
0xe: {  	[smem:$0x3FB4] =	sst s6  }
0xf: {  	[smem:$0x3FB5] =	sst s7  }
0x10: {  	[smem:$0x3FB6] =	sst s8  }
0x11: {  	[smem:$0x3FB7] =	sst s9;
	s0 =	simm.s32 @!p0 $0x0  }
0x12: {  	s1 =	sld [smem:$0x3F9D];
	s0 =	simm.s32 @p0 $0x1  }
0x13: {  	[smem:$0x3FB8] =	sst s0;
	s0 =	simm.s32 @!p1 $0x0  }
0x14: {  	s2 =	sld [smem:$0x3F9C];
	s0 =	simm.s32 @p1 $0x1  }
0x15: {  	[smem:$0x3FB9] =	sst s0;
	s0 =	simm.s32 @!p2 $0x0  }
0x16: {  	s3 =	sld [smem:$0x3FDB];
	s0 =	simm.s32 @p2 $0x1  }
0x17: {  	s4 =	simm.s32 $0x1BF5;
	[smem:$0x3FBB] =	sst s0  }
0x18: {  	s0 =	sld [smem:$0x3F9E];
	_ =	swait.ge [sflag:s4], $0x0  }
0x19: {  	s7 =	sld [smem:$0x3F9F]  }
0x1a: {  	s8 =	sadd.s32 $0xFFFFE003, lr  }
0x1b: {  	s9 =	sadd.s32 $0xFFFFFEF7, lr;
	s5 =	simm.s32 $0xFFFFFFFF;
	p2 =	slt.u32 s8, $0xFFFFF086  }
0x1c: {  	p1 =	slt.u32 s9, $0xF7A;
	s5 =	simm.s32 @!p2 $0x0  }
0x1d: {  	s5 =	simm.s32 @p1 $0x1;
	p0 =	seq.s32 s7, s2  }
0x1e: {  	s7 =	smul.u32 @!p0 $0xF7A, s2;
	p2 =	seq.s32 @!p0 s5, $0x0  }
0x1f: {  	s9 =	smul.u32 $0xF7A, s1;
	s8 =	simm.s32 @!p0 $0x1BF5;
	p2 =	por !p2, p0  }
0x20: {  	[sflag:s8] =	ssyncset.s32 @!p0 $0xFFFFF086;
	s6 =	sadd.s32 @!p0 s3, s7;
	s7 =	simm.s32 @!p0 $0x108  }
0x21: {  	s3 =	sadd.s32 s3, s9;
	s6 =	sadd.s32 @!p0 $0x88, s6;
	s7 =	simm.s32 @p2 $0x1082  }
0x22: {  	[simem:s7], [sflag:s8] =	dma.local @!p0 [hbm:s6], $0xF7A  }
0x23: {  	s9 =	sor.u32 $0xD0000000, s2;
	s6 =	simm.s32 $0x108;
	_ =	swait.ge @!p0 [sflag:s8], $0x0  }
0x24: {  	s3 =	sadd.s32 $0x88, s3;
	s6 =	simm.s32 @!p1 $0x1082;
	[sflag:s4] =	ssyncset.s32 $0xFFFFF086  }
0x25: {  	[simem:s6], [sflag:s4] =	dma.local [hbm:s3], $0xF7A  }
0x26: {  	[smem:$0x3F9F] =	sst s1;
	(tag) =	ssettag s2;
	_ =	strace s9  }
0x27: {  	s1 =	sld [smem:$0x3FAF]  }
0x28: {  	s2 =	sld [smem:$0x3FB0]  }
0x29: {  	s4 =	sld [smem:$0x3FB2]  }
0x2a: {  	p0 =	seq.s32 s5, $0x0;
	s5 =	sld [smem:$0x3FB3]  }
0x2b: {  	s6 =	sld [smem:$0x3FB4]  }
0x2c: {  	s7 =	sld [smem:$0x3FB5]  }
0x2d: {  	s3 =	simm.s32 $0x108;
	s8 =	sld [smem:$0x3FB6]  }
0x2e: {  	s3 =	simm.s32 @!p0 $0x1082;
	s9 =	sld [smem:$0x3FB7]  }
0x2f: {  	lr =	sadd.s32 s0, s3;
	s0 =	sld [smem:$0x3FAE]  }
0x30: {  	s3 =	sld [smem:$0x3FB1]  }
0x31: {  	[smem:$0x3FBA] =	sst s10  }
0x32: {  	s10 =	sld [smem:$0x3FB8];
	_ =	sdelay $0x3  }
0x33: {  	p0 =	seq.s32 s10, $0x1;
	s10 =	sld [smem:$0x3FBA];
	_ =	sdelay $0x3  }
0x34: {  	[smem:$0x3FBA] =	sst s10  }
0x35: {  	s10 =	sld [smem:$0x3FB9];
	_ =	sdelay $0x3  }
0x36: {  	p1 =	seq.s32 s10, $0x1;
	s10 =	sld [smem:$0x3FBA];
	_ =	sdelay $0x3  }
0x37: {  	[smem:$0x3FBA] =	sst s10  }
0x38: {  	s10 =	sld [smem:$0x3FBB]  }
0x39: {  	_ = 	snop;
	(pc) =	sbr.ind lr, $3  }
0x3a: {  	_ = 	snop  }
0x3b: {  	_ = 	snop  }
0x3c: {  	p2 =	seq.s32 s10, $0x1;
	s10 =	sld [smem:$0x3FBA]  }
0x3d: {  	_ =	shalt  }
0x3e: {  	_ =	shalt  }
0x3f: {  	_ =	shalt  }
0x40: {  	_ =	shalt  }
0x41: {  	_ =	shalt  }
0x42: {  	_ =	shalt  }
0x43: {  	_ =	shalt  }
0x44: {  	_ =	shalt  }
0x45: {  	_ =	shalt  }
0x46: {  	_ =	shalt  }
0x47: {  	_ =	shalt  }
0x48: {  	_ =	shalt  }
0x49: {  	_ =	shalt  }
0x4a: {  	_ =	shalt  }
0x4b: {  	_ =	shalt  }
0x4c: {  	_ =	shalt  }
0x4d: {  	_ =	shalt  }
0x4e: {  	_ =	shalt  }
0x4f: {  	_ =	shalt  }
0x50: {  	_ =	shalt  }
0x51: {  	_ =	shalt  }
0x52: {  	_ =	shalt  }
0x53: {  	_ =	shalt  }
0x54: {  	_ =	shalt  }
0x55: {  	_ =	shalt  }
0x56: {  	_ =	shalt  }
0x57: {  	_ =	shalt  }
0x58: {  	_ =	shalt  }
0x59: {  	_ =	shalt  }
0x5a: {  	_ =	shalt  }
0x5b: {  	_ =	shalt  }
0x5c: {  	_ =	shalt  }
0x5d: {  	_ =	shalt  }
0x5e: {  	_ =	shalt  }
0x5f: {  	_ =	shalt  }
0x60: {  	_ =	shalt  }
0x61: {  	_ =	shalt  }
0x62: {  	_ =	shalt  }
0x63: {  	_ =	shalt  }
0x64: {  	_ =	shalt  }
0x65: {  	_ =	shalt  }
0x66: {  	_ =	shalt  }
0x67: {  	_ =	shalt  }
0x68: {  	_ =	shalt  }
0x69: {  	_ =	shalt  }
0x6a: {  	_ =	shalt  }
0x6b: {  	_ =	shalt  }
0x6c: {  	_ =	shalt  }
0x6d: {  	_ =	shalt  }
0x6e: {  	_ =	shalt  }
0x6f: {  	_ =	shalt  }
0x70: {  	_ =	shalt  }
0x71: {  	_ =	shalt  }
0x72: {  	_ =	shalt  }
0x73: {  	_ =	shalt  }
0x74: {  	_ =	shalt  }
0x75: {  	_ =	shalt  }
0x76: {  	_ =	shalt  }
0x77: {  	_ =	shalt  }
0x78: {  	_ =	shalt  }
0x79: {  	_ =	shalt  }
0x7a: {  	_ =	shalt  }
0x7b: {  	_ =	shalt  }
0x7c: {  	_ =	shalt  }
0x7d: {  	_ =	shalt  }
0x7e: {  	_ =	shalt  }
0x7f: {  	_ =	shalt  }
0x80: {  	_ =	shalt  }
0x81: {  	_ =	shalt  }
0x82: {  	_ =	shalt  }
0x83: {  	_ =	shalt  }
0x84: {  	_ =	shalt  }
0x85: {  	_ =	shalt  }
0x86: {  	_ =	shalt  }
0x87: {  	_ =	shalt  }
.Lfunc_end0:
.L_simem_size_0:
called_computation_lowered:
.L_overlay_start_0:
0x88: {  	s2 =	sld [smem:$0x3FD9]  }
0x89: {  	s3 =	sld [smem:$0x3FFE];
	_ =	sdelay $0x1  }
0x8a: {  	s1 =	srdreg.scid  }
0x8b: {  	s0 =	sand.u32 $0x1, s1  }
0x8c: {  	s14 =	sshll.u32 s0, $0xA;
	s2 =	sadd.s32 s3, s2  }
0x8d: {  	s2 =	sadd.s32 s2, s14  }
0x8e: {  	[smem:$0x3FC6] =	sst s2  }
0x8f: {  	_ = 	snop  }
0x90: {  	s2 =	sld [smem:$0x3FD0];
	_ =	sdelay $0x2  }
0x91: {  	s4 =	simm.s32 $0xA;
	s5 =	simm.s32 $0x10;
	s15 =	sld [smem:$0x3FC8]  }
0x92: {  	[smem:s5], [sflag:s4] =	dma.local [hbm:s2], $0x1  }
0x93: {  	_ =	swait.eq [sflag:s4], $0x1  }
0x94: {  	[sflag:s4] =	ssyncset.done $0x0  }
0x95: {  	s16 =	sld [smem:$0x10];
	[sflag:s4] =	ssyncadd.s32 $0xFFFFFFFF  }
0x96: {  	s17 =	sld [smem:$0x11];
	(tm) =	ssettm $0x1  }
0x97: {  	s18 =	sld [smem:$0x3FFB];
	_ =	sdelay $0x3  }
0x98: {  	_ =	strace s18  }
0x99: {  	s5 =	sld [smem:$0x3FFC];
	_ =	sdelay $0x3  }
0x9a: {  	_ =	strace s5  }
0x9b: {  	s5 =	sld [smem:$0x3FFD];
	_ =	sdelay $0x3  }
0x9c: {  	_ =	strace s5  }
0x9d: {  	_ =	strace $0x8FFFFFFF  }
0x9e: {  	s19 =	sld [smem:$0x3FDB];
	_ =	sdelay $0x1  }
0x9f: {  	s6 =	simm.s32 $_scs_section_size  }
0xa0: {  	s7 =	simm.s32 $_size__tile_overlayer_lowered;
	s8 =	simm.s32 $_tile_overlayer_lowered  }
0xa1: {  	s22 =	simm.s32 $0x1BFF;
	s21 =	sshll.u32 s8, $0x1;
	s5 =	sadd.s32 s6, s19  }
0xa2: {  	s9 =	simm.s32 $0x0;
	s20 =	sshll.u32 s7, $0x1;
	s7 =	sadd.s32 s21, s5  }
0xa3: {  	[timem:s9], [sflag:s22] =	dma.local [hbm:s7], s20  }
0xa4: {  	_ =	swait.ge [sflag:s22], s20  }
0xa5: {  	s6 =	ssub.s32 $0x0, s20;
	[sflag:s22] =	ssyncset.done $0x0  }
0xa6: {  	[sflag:s22] =	ssyncadd.s32 s6;
	_ =	sdelay $0x1  }
0xa7: {  	s23 =	simm.s32 $0x1B8B  }
0xa8: {  	_ =	swait.ge [sflag:s23], $0x1  }
0xa9: {  	[sflag:s23] =	ssyncset.done $0x0  }
0xaa: {  	s25 =	simm.s32 $0x1B8E;
	s24 =	sld [smem:$0x3FFE];
	[sflag:s23] =	ssyncadd.s32 $0xFFFFFFFF  }
0xab: {  	s26 =	simm.s32 $execute0_lowered;
	[smem:$0x3FD2] =	sst s25  }
0xac: {  	s7 =	sshll.u32 s26, $0x1;
	_ =	strace $0x80000046;
	[dreg:$0x1] =	wrdreg $0xFFFFFFFF  }
0xad: {  	s28 =	simm.s32 $_size_execute0_lowered;
	s5 =	sadd.s32 s5, s7;
	[dreg:$0x0] =	wrdreg $0x0  }
0xae: {  	s7 =	sshll.u32 s28, $0x1;
	[dreg:$0x2] =	wrdreg s5  }
0xaf: {  	[dreg:$0x3] =	wrdreg s7  }
0xb0: {  	[dreg:$0x4] =	wrdreg $0xC0  }
0xb1: {  	_ =	task [dreg:s9], $0x5FFFF  }
0xb2: {  	[dreg:$0x1] =	wrdreg $0xFFFFFFFF  }
0xb3: {  	[dreg:$0x0] =	wrdreg $0x60  }
0xb4: {  	[dreg:$0x2] =	wrdreg s15  }
0xb5: {  	[dreg:$0x3] =	wrdreg s24  }
0xb6: {  	[dreg:$0x4] =	wrdreg s17  }
0xb7: {  	[dreg:$0x5] =	wrdreg s16  }
0xb8: {  	[dreg:$0x6] =	wrdreg $0x9  }
0xb9: {  	_ =	task.clear_ibuf [dreg:s9], $0x7FFFF;
	_ =	strace $0x90000046  }
0xba: {  	s29 =	simm.s32 $0x9;
	_ =	strace $0x80000048  }
0xbb: {  	_ =	swait.ge [sflag:s29], $0x1  }
0xbc: {  	[sflag:s29] =	ssyncadd.s32 $0xFFFFFFFF  }
0xbd: {  	_ =	strace $0x90000048  }
0xbe: {  	_ =	sfence  }
0xbf: {  	s30 =	sld [smem:$0x0];
	_ =	sdelay $0x2  }
0xc0: {  	s31 =	sshll.u32 s1, $0xD;
	s1 =	sshrl.u32 s1, $0x2  }
0xc1: {  	s3 =	sand.u32 $0x4000, s31;
	s1 =	sadd.s32 s1, s30  }
0xc2: {  	s0 =	sor.u32 s3, s0;
	s1 =	sshll.u32 s1, $0x11  }
0xc3: {  	s0 =	sor.u32 s1, s0  }
0xc4: {  	s0 =	sadd.s32 $0x8F2B, s0  }
0xc5: {  	[sflag:s0] =	ssyncadd.remote.s32 $0x1  }
0xc6: {  	_ =	sfence.sel $0xFFFF  }
0xc7: {  	[dreg:$0x0] =	wrdreg $0xFFFFFFFF;
	(pc) =	sbr.abs _section_cstart, $3  }
0xc8: {  	[dreg:$0x1] =	wrdreg $0xFFFFFFFF  }
0xc9: {  	_ =	task.clear_ibuf [dreg:s9], $0x2FFFF;
	_ =	strace $0x9FFFFFFF  }
0xca: {  	(tm) =	ssettm $0x7FFFFFFF  }
0xcb: {  	_ =	shalt  }
tec
execute0_lowered:
.L_overlay_start_1:
0x0: {  	(tag) =	ssettag $0x1  }
0x1: {  	s4 =	rddreg [dreg:$0x0]  }
0x2: {  	s2 =	rddreg [dreg:$0x1]  }
0x3: {  	s9 =	rddreg [dreg:$0x2]  }
0x4: {  	s11 =	rddreg [dreg:$0x3];
	s3 =	srdreg.scid  }
0x5: {  	s0 =	rddreg [dreg:$0x4];
	s1 =	stileid.u32;
	s10 =	sand.u32 $0x1, s3  }
0x6: {  	s3 =	simm.s32 $0x0;
	s5 =	sshll.u32 s1, $0x5;
	s6 =	sshll.u32 s10, $0x4  }
0x7: {  	[smem:$0x7FF] =	sst s3;
	s12 =	sor.u32 s6, s5  }
0x8: {  	_ =	strace $0x80000047;
	s5 =	sadd.s32 s4, s12;
	s4 =	simm.s32 $0x1  }
0x9: {  	[tilespmem:s3], [sflag:$0x1] =	stream.linear.gather [hbm4b:s5+s3], $0x80, $0x38;
	[tilespmem:$0x980] =	vst v63  }
0xa: {  	_ =	swait.ge [sflag:s4], $0x80  }
0xb: {  	[sflag:s4] =	ssyncset.done $0x0  }
0xc: {  	s7 =	simm.s32 $0x80;
	s6 =	sadd.s32 $0x200, s2;
	[sflag:s4] =	ssyncadd.s32 $0xFFFFFF80  }
0xd: {  	[tilespmem:s7], [sflag:$0x1] =	stream.linear.gather [hbm4b:s6+s3], $0x400, $0x38;
	[tilespmem:$0x980] =	vst v63  }
0xe: {  	_ =	swait.ge [sflag:s4], $0x400  }
0xf: {  	[sflag:s4] =	ssyncset.done $0x0  }
0x10: {  	s8 =	simm.s32 $0x480;
	[sflag:s4] =	ssyncadd.s32 $0xFFFFFC00  }
0x11: {  	[tilespmem:s8], [sflag:$0x1] =	stream.linear.gather [hbm4b:s2+s3], $0x400, $0x38;
	[tilespmem:$0x980] =	vst v63  }
0x12: {  	_ =	swait.ge [sflag:s4], $0x400  }
0x13: {  	[sflag:s4] =	ssyncset.done $0x0  }
0x14: {  	[sflag:s4] =	ssyncadd.s32 $0xFFFFFC00  }
0x15: {  	v0 =	vld [tilespmem:$0x0];
	_ =	sdelay $0x7  }
0x16: {  	v1 =	vld.idx.msk [tilespmem:v0+s7+$0x0], $0xffff;
	_ =	sdelay $0x3  }
0x17: {  	v2 =	vld [tilespmem:$0x10]  }
0x18: {  	[tilespmem:$0x880] =	vst v1  }
0x19: {  	v0 =	vld.idx.msk [tilespmem:v0+s8+$0x0], $0xffff;
	_ =	sdelay $0x4  }
0x1a: {  	[tilespmem:$0x900] =	vst v0  }
0x1b: {  	v0 =	vld.idx.msk [tilespmem:v2+s7+$0x0], $0xffff;
	_ =	sdelay $0x3  }
0x1c: {  	v58 =	vld [tilespmem:$0x20]  }
0x1d: {  	[tilespmem:$0x890] =	vst v0  }
0x1e: {  	v0 =	vld.idx.msk [tilespmem:v2+s8+$0x0], $0xffff;
	_ =	sdelay $0x4  }
0x1f: {  	[tilespmem:$0x910] =	vst v0  }
0x20: {  	v0 =	vld.idx.msk [tilespmem:v58+s7+$0x0], $0xffff;
	_ =	sdelay $0x3  }
0x21: {  	v59 =	vld [tilespmem:$0x30]  }
0x22: {  	[tilespmem:$0x8A0] =	vst v0  }
0x23: {  	v0 =	vld.idx.msk [tilespmem:v58+s8+$0x0], $0xffff;
	_ =	sdelay $0x4  }
0x24: {  	[tilespmem:$0x920] =	vst v0  }
0x25: {  	v0 =	vld.idx.msk [tilespmem:v59+s7+$0x0], $0xffff;
	_ =	sdelay $0x3  }
0x26: {  	v60 =	vld [tilespmem:$0x40]  }
0x27: {  	[tilespmem:$0x8B0] =	vst v0  }
0x28: {  	v0 =	vld.idx.msk [tilespmem:v59+s8+$0x0], $0xffff;
	_ =	sdelay $0x4  }
0x29: {  	[tilespmem:$0x930] =	vst v0  }
0x2a: {  	v0 =	vld.idx.msk [tilespmem:v60+s7+$0x0], $0xffff;
	_ =	sdelay $0x3  }
0x2b: {  	v61 =	vld [tilespmem:$0x50]  }
0x2c: {  	[tilespmem:$0x8C0] =	vst v0  }
0x2d: {  	v0 =	vld.idx.msk [tilespmem:v60+s8+$0x0], $0xffff;
	_ =	sdelay $0x4  }
0x2e: {  	[tilespmem:$0x940] =	vst v0  }
0x2f: {  	v0 =	vld.idx.msk [tilespmem:v61+s7+$0x0], $0xffff;
	_ =	sdelay $0x3  }
0x30: {  	v62 =	vld [tilespmem:$0x60]  }
0x31: {  	[tilespmem:$0x8D0] =	vst v0  }
0x32: {  	v0 =	vld.idx.msk [tilespmem:v61+s8+$0x0], $0xffff;
	_ =	sdelay $0x4  }
0x33: {  	[tilespmem:$0x950] =	vst v0  }
0x34: {  	v0 =	vld.idx.msk [tilespmem:v62+s7+$0x0], $0xffff;
	_ =	sdelay $0x3  }
0x35: {  	v63 =	vld [tilespmem:$0x70]  }
0x36: {  	[tilespmem:$0x8E0] =	vst v0  }
0x37: {  	v0 =	vld.idx.msk [tilespmem:v62+s8+$0x0], $0xffff;
	_ =	sdelay $0x4  }
0x38: {  	[tilespmem:$0x960] =	vst v0  }
0x39: {  	v0 =	vld.idx.msk [tilespmem:v63+s7+$0x0], $0xffff;
	_ =	sdelay $0x4  }
0x3a: {  	[tilespmem:$0x8F0] =	vst v0  }
0x3b: {  	v0 =	vld.idx.msk [tilespmem:v63+s8+$0x0], $0xffff;
	_ =	sdelay $0x1  }
0x3c: {  	s13 =	ssub.s32 $0x2, s10  }
0x3d: {  	s14 =	sshrl.u32 s13, $0x1  }
0x3e: {  	s13 =	ssub.s32 s13, s14  }
0x3f: {  	s10 =	simm.s32 $0x880;
	s9 =	sadd.s32 s9, s12;
	s13 =	smax.u32 s13, $0x1;
	[tilespmem:$0x970] =	vst v0  }
0x40: {  	[hbm4b:s9+s3] =	stream.linear.scatter [tilespmem:s10], [sflag:$0x1], $0x80, $0x38;
	[tilespmem:$0x980] =	vst v63  }
0x41: {  	p0 =	sne.s32 s13, $0x1;
	_ =	swait.ge [sflag:s4], $0x80  }
.Ltmp0:
0x42: {  	[sflag:s4] =	ssyncset.done $0x0;
	(pc) =	sbr.rel @!p0 .LBB2_2-.Ltmp0, $4  }
0x43: {  	s11 =	sadd.s32 s11, s12;
	s12 =	simm.s32 $0x900;
	[sflag:s4] =	ssyncadd.s32 $0xFFFFFF80  }
0x44: {  	[hbm4b:s11+s3] =	stream.linear.scatter [tilespmem:s12], [sflag:$0x1], $0x80, $0x38;
	[tilespmem:$0x980] =	vst v63  }
0x45: {  	_ =	swait.ge [sflag:s4], $0x80  }
0x46: {  	s13 =	sadd.s32 $0xFFFFFFFF, s13;
	[sflag:s4] =	ssyncset.done $0x0  }
.LBB2_1:
0x47: {  	p0 =	sne.s32 s13, $0x1;
	s13 =	sadd.s32 $0xFFFFFFFF, s13;
	[sflag:s4] =	ssyncadd.s32 $0xFFFFFF80  }
0x48: {  	[tilespmem:s3], [sflag:$0x1] =	stream.linear.gather [hbm4b:s5+s3], $0x80, $0x38;
	[tilespmem:$0x980] =	vst v63  }
0x49: {  	_ =	swait.ge [sflag:s4], $0x80  }
0x4a: {  	[sflag:s4] =	ssyncset.done $0x0  }
0x4b: {  	[sflag:s4] =	ssyncadd.s32 $0xFFFFFF80  }
0x4c: {  	[tilespmem:s7], [sflag:$0x1] =	stream.linear.gather [hbm4b:s6+s3], $0x400, $0x38;
	[tilespmem:$0x980] =	vst v63  }
0x4d: {  	_ =	swait.ge [sflag:s4], $0x400  }
0x4e: {  	[sflag:s4] =	ssyncset.done $0x0  }
0x4f: {  	[sflag:s4] =	ssyncadd.s32 $0xFFFFFC00  }
0x50: {  	[tilespmem:s8], [sflag:$0x1] =	stream.linear.gather [hbm4b:s2+s3], $0x400, $0x38;
	[tilespmem:$0x980] =	vst v63  }
0x51: {  	_ =	swait.ge [sflag:s4], $0x400  }
0x52: {  	[sflag:s4] =	ssyncset.done $0x0  }
0x53: {  	[sflag:s4] =	ssyncadd.s32 $0xFFFFFC00  }
0x54: {  	v0 =	vld [tilespmem:$0x0];
	_ =	sdelay $0x7  }
0x55: {  	v1 =	vld.idx.msk [tilespmem:v0+s7+$0x0], $0xffff;
	_ =	sdelay $0x5  }
0x56: {  	[tilespmem:$0x880] =	vst v1;
	v1 =	vld [tilespmem:$0x10]  }
0x57: {  	v0 =	vld.idx.msk [tilespmem:v0+s8+$0x0], $0xffff;
	_ =	sdelay $0x5  }
0x58: {  	[tilespmem:$0x900] =	vst v0  }
0x59: {  	v0 =	vld.idx.msk [tilespmem:v1+s7+$0x0], $0xffff;
	_ =	sdelay $0x5  }
0x5a: {  	[tilespmem:$0x890] =	vst v0;
	v0 =	vld [tilespmem:$0x20]  }
0x5b: {  	v1 =	vld.idx.msk [tilespmem:v1+s8+$0x0], $0xffff;
	_ =	sdelay $0x5  }
0x5c: {  	[tilespmem:$0x910] =	vst v1  }
0x5d: {  	v1 =	vld.idx.msk [tilespmem:v0+s7+$0x0], $0xffff;
	_ =	sdelay $0x5  }
0x5e: {  	[tilespmem:$0x8A0] =	vst v1;
	v1 =	vld [tilespmem:$0x30]  }
0x5f: {  	v0 =	vld.idx.msk [tilespmem:v0+s8+$0x0], $0xffff;
	_ =	sdelay $0x5  }
0x60: {  	[tilespmem:$0x920] =	vst v0  }
0x61: {  	v0 =	vld.idx.msk [tilespmem:v1+s7+$0x0], $0xffff;
	_ =	sdelay $0x5  }
0x62: {  	[tilespmem:$0x8B0] =	vst v0;
	v0 =	vld [tilespmem:$0x40]  }
0x63: {  	v1 =	vld.idx.msk [tilespmem:v1+s8+$0x0], $0xffff;
	_ =	sdelay $0x5  }
0x64: {  	[tilespmem:$0x930] =	vst v1  }
0x65: {  	v1 =	vld.idx.msk [tilespmem:v0+s7+$0x0], $0xffff;
	_ =	sdelay $0x5  }
0x66: {  	[tilespmem:$0x8C0] =	vst v1;
	v1 =	vld [tilespmem:$0x50]  }
0x67: {  	v0 =	vld.idx.msk [tilespmem:v0+s8+$0x0], $0xffff;
	_ =	sdelay $0x5  }
0x68: {  	[tilespmem:$0x940] =	vst v0  }
0x69: {  	v0 =	vld.idx.msk [tilespmem:v1+s7+$0x0], $0xffff;
	_ =	sdelay $0x5  }
0x6a: {  	[tilespmem:$0x8D0] =	vst v0;
	v0 =	vld [tilespmem:$0x60]  }
0x6b: {  	v1 =	vld.idx.msk [tilespmem:v1+s8+$0x0], $0xffff;
	_ =	sdelay $0x5  }
0x6c: {  	[tilespmem:$0x950] =	vst v1  }
0x6d: {  	v1 =	vld.idx.msk [tilespmem:v0+s7+$0x0], $0xffff;
	_ =	sdelay $0x5  }
0x6e: {  	[tilespmem:$0x8E0] =	vst v1;
	v1 =	vld [tilespmem:$0x70]  }
0x6f: {  	v0 =	vld.idx.msk [tilespmem:v0+s8+$0x0], $0xffff;
	_ =	sdelay $0x5  }
0x70: {  	[tilespmem:$0x960] =	vst v0  }
0x71: {  	v0 =	vld.idx.msk [tilespmem:v1+s7+$0x0], $0xffff;
	_ =	sdelay $0x5  }
0x72: {  	[tilespmem:$0x8F0] =	vst v0  }
0x73: {  	v0 =	vld.idx.msk [tilespmem:v1+s8+$0x0], $0xffff;
	_ =	sdelay $0x5  }
0x74: {  	[tilespmem:$0x970] =	vst v0  }
0x75: {  	[hbm4b:s9+s3] =	stream.linear.scatter [tilespmem:s10], [sflag:$0x1], $0x80, $0x38;
	[tilespmem:$0x980] =	vst v63  }
0x76: {  	_ =	swait.ge [sflag:s4], $0x80  }
.Ltmp1:
0x77: {  	[sflag:s4] =	ssyncset.done $0x0;
	(pc) =	sbr.rel @p0 .LBB2_1-.Ltmp1, $4  }
0x78: {  	[sflag:s4] =	ssyncadd.s32 $0xFFFFFF80  }
0x79: {  	[hbm4b:s11+s3] =	stream.linear.scatter [tilespmem:s12], [sflag:$0x1], $0x80, $0x38;
	[tilespmem:$0x980] =	vst v63  }
0x7a: {  	_ =	swait.ge [sflag:s4], $0x80  }
0x7b: {  	[sflag:s4] =	ssyncset.done $0x0  }
.LBB2_2:
0x7c: {  	[sflag:s4] =	ssyncadd.s32 $0xFFFFFF80  }
0x7d: {  	_ =	sfence.sel $0x180000  }
0x7e: {  	[bflag:$0x0] =	sbarrier.arrive $0xFFFF  }
0x7f: {  	p0 =	sne.s32 s1, $0x0;
	_ =	strace $0x90000047  }
0x80: {  	s0 =	sadd.s32 @!p0 $0x100000, s0;
	[bflag:$0x2] =	sbarrier.arrive $0xFFFF  }
0x81: {  	[sflag:s0] =	ssyncadd.tile.s32 @!p0 $0x1;
	_ =	shalt  }
.Lfunc_end2:
_tile_overlayer_lowered:
.L_overlay_start_2:
0x82: {  	(tag) =	ssettag $0x2  }
0x83: {  	s0 =	rddreg [dreg:$0x0];
	s2 =	stileid.u32  }
0x84: {  	s1 =	rddreg [dreg:$0x1];
	p0 =	sne.s32 s2, $0x0  }
0x85: {  	s3 =	rddreg [dreg:$0x2];
	[bflag:$0x3] =	sbarrier.arrive $0xFFFF;
	s2 =	simm.s32 @!p0 $0x1C01  }
0x86: {  	[timem:s3], [sflag:s2] =	dma.local @!p0 [hbm:s0], s1  }
0x87: {  	s0 =	simm.s32 @!p0 $0x1  }
0x88: {  	_ =	swait.ge @!p0 [sflag:s0], s1  }
0x89: {  	s1 =	ssub.s32 @!p0 $0x0, s1;
	[sflag:s0] =	ssyncset.done @!p0 $0x0  }
0x8a: {  	[sflag:s0] =	ssyncadd.s32 @!p0 s1  }
0x8b: {  	[bflag:$0x3] =	sbarrier.arrive $0xFFFF  }
0x8c: {  	_ =	shalt  }

</sc_bundles>
